<compile_context>
chip_gen: v7x
topology: tpu7x:2x2x1
jax: 0.10.2.dev20260603
libtpu: 0.0.44.dev20260713+nightly
codegen_flags: <defaults>
</compile_context>

<pallas_src>
import functools

import jax
import jax.numpy as jnp
from jax import lax
from jax.experimental import pallas as pl
from jax.experimental.pallas import tpu as pltpu
from jax.experimental.pallas import tpu_sc as plsc

_E = 8
_EPAD = 128
_BLK = 512
_NW = 32
_L = 16


def _logits_body(hs_ref, w_ref, out_ref):
    x = hs_ref[...]
    logits = jnp.dot(x, w_ref[...],
                     preferred_element_type=jnp.float32)
    out_ref[...] = logits.T


def _scale_sc_body(logits_hbm, scale_hbm, l_v, s_v):
    chunk = s_v.shape[0]
    wid = lax.axis_index("s") * 2 + lax.axis_index("c")
    base = wid * chunk
    pltpu.sync_copy(logits_hbm.at[:, pl.ds(base, chunk)], l_v)

    def body(i, carry):
        off = i * _L
        les = [l_v[e, pl.ds(off, _L)] for e in range(_E)]
        m1 = les[0]
        m2 = jnp.full((_L,), -jnp.inf, jnp.float32)
        for e in range(1, _E):
            m2 = jnp.maximum(m2, jnp.minimum(m1, les[e]))
            m1 = jnp.maximum(m1, les[e])
        sumexp = jnp.zeros((_L,), jnp.float32)
        for e in range(_E):
            sumexp = sumexp + jnp.exp(les[e] - m1)
        s_v[pl.ds(off, _L)] = (1.0 + jnp.exp(m2 - m1)) / sumexp
        return carry

    lax.fori_loop(0, chunk // _L, body, 0)
    pltpu.sync_copy(s_v, scale_hbm.at[pl.ds(base, chunk)])


def _mul_body(hs_ref, sc_ref, out_ref):
    out_ref[...] = hs_ref[...] * sc_ref[...]


@jax.jit
def kernel(hidden_states, W_router):
    B, S, H = hidden_states.shape
    E = W_router.shape[-1]
    rows = B * S
    blk = min(_BLK, rows)
    chunk = rows // _NW
    hs2d = hidden_states.reshape(rows, H)
    w_pad = jnp.zeros((H, _EPAD), dtype=W_router.dtype).at[:, :E].set(W_router)

    logits_t = pl.pallas_call(
        _logits_body,
        grid=(rows // blk,),
        in_specs=[
            pl.BlockSpec((blk, H), lambda i: (i, 0)),
            pl.BlockSpec((H, _EPAD), lambda i: (0, 0)),
        ],
        out_specs=pl.BlockSpec((_EPAD, blk), lambda i: (0, i)),
        out_shape=jax.ShapeDtypeStruct((_EPAD, rows), jnp.float32),
    )(hs2d, w_pad)
    logits_t = logits_t[:_E]

    mesh = plsc.VectorSubcoreMesh(core_axis_name="c", subcore_axis_name="s")
    scale = pl.kernel(
        _scale_sc_body,
        mesh=mesh,
        out_type=jax.ShapeDtypeStruct((rows,), jnp.float32),
        scratch_types=[
            pltpu.VMEM((_E, chunk), jnp.float32),
            pltpu.VMEM((chunk,), jnp.float32),
        ],
    )(logits_t)

    out = pl.pallas_call(
        _mul_body,
        grid=(rows // blk,),
        in_specs=[
            pl.BlockSpec((blk, H), lambda i: (i, 0)),
            pl.BlockSpec((blk, 1), lambda i: (i, 0)),
        ],
        out_specs=pl.BlockSpec((blk, H), lambda i: (i, 0)),
        out_shape=jax.ShapeDtypeStruct((rows, H), hidden_states.dtype),
    )(hs2d, scale.reshape(rows, 1))
    return out.reshape(B, S, H)

# --- scband reference (transcript-rebuilt; emitter-appended) ---
"""Pipeline reference for scband-baseline-module-62878321214331 (READ-ONLY COPY).

The authoritative reference and input builder live on the scoring server;
editing this copy changes nothing except your own understanding.
"""

import jax, jax.numpy as jnp
import numpy as np

B, S, H = 4, 4096, 4096
E, K = 8, 2

def setup_inputs(seed: int = 0) -> dict:
    key = jax.random.key(seed)
    k1, k2 = jax.random.split(key)
    hidden_states = jax.random.normal(k1, (B, S, H), dtype=jnp.float32)
    W_router = jax.random.normal(k2, (H, E), dtype=jnp.float32) * 0.02
    return {"hidden_states": hidden_states, "W_router": W_router}

def reference(hidden_states, W_router):
    # Router: linear -> softmax scores, top-k indices over logits
    logits = jnp.einsum('bsh,he->bse', hidden_states, W_router)
    router_scores = jax.nn.softmax(logits, axis=-1)               # [B, S, E]
    _, router_indices = jax.lax.top_k(logits, K)                  # [B, S, K]
    # topk_weights = gather(router_scores, -1, router_indices)
    topk_weights = jnp.take_along_axis(router_scores, router_indices, axis=-1)  # [B, S, K]
    # output = hidden_states * sum(topk_weights)
    output = hidden_states * jnp.sum(topk_weights, axis=-1, keepdims=True)
    return output

if __name__ == "__main__":
    import jax
    _d = setup_inputs()
    print(jax.jit(kernel)(*tuple(_d.values())))

</pallas_src>

<mosaic_0001>
#map = affine_map<(d0, d1) -> (0, 0)>
#map1 = affine_map<(d0, d1) -> (0)>
module attributes {stable_mosaic.version = 14 : i64} {
  func.func @_scale_sc_body(%arg0: i32, %arg1: i32, %arg2: memref<8x16384xf32, #tpu.memory_space<hbm>>, %arg3: memref<16384xf32, #tpu.memory_space<hbm>>, %arg4: memref<8x512xf32, #tpu.memory_space<vmem>>, %arg5: memref<512xf32, #tpu.memory_space<vmem>>) attributes {dimension_semantics = [#tpu.dimension_semantics<core_parallel>, #tpu.dimension_semantics<subcore_parallel>], iteration_bounds = array<i64: 2, 16>, scalar_prefetch = 0 : i64, scratch_operands = 2 : i64, tpu.core_type = #tpu.core_type<sc_vector_subcore>, window_params = [{transform_indices = #map}, {transform_indices = #map1}]} {
    %mul3A = arith.constant 2 : i32
    %mul3A_0 = arith.muli %arg1, %mul3A : i32
    %add3A = arith.addi %mul3A_0, %arg0 : i32
    %mul3A_1 = arith.constant 512 : i32
    %mul3A_2 = arith.muli %add3A, %mul3A_1 : i32
    "tpu.region"() ({
      %run_scoped3A = tpu.sem_alloc : memref<!tpu.dma_semaphore, #tpu.memory_space<semaphore_mem>>
      %dma_start3A = arith.constant 0 : i32
      %dma_start3A_8 = tpu.memref_slice %arg2[%dma_start3A, %mul3A_2] : memref<8x16384xf32, #tpu.memory_space<hbm>> -> memref<8x512xf32, #tpu.memory_space<hbm>>
      %dma_start3A_9 = arith.constant 0 : i32
      %dma_start3A_10 = tpu.memref_slice %arg2[%dma_start3A_9, %mul3A_2] : memref<8x16384xf32, #tpu.memory_space<hbm>> -> memref<8x512xf32, #tpu.memory_space<hbm>>
      tpu.enqueue_dma source(%dma_start3A_10 : memref<8x512xf32, #tpu.memory_space<hbm>>) target(%arg4 : memref<8x512xf32, #tpu.memory_space<vmem>>) target_semaphore(%run_scoped3A : memref<!tpu.dma_semaphore, #tpu.memory_space<semaphore_mem>>)
      %dma_wait3A = arith.constant 0 : i32
      %dma_wait3A_11 = tpu.memref_slice %arg2[%dma_wait3A, %mul3A_2] : memref<8x16384xf32, #tpu.memory_space<hbm>> -> memref<8x512xf32, #tpu.memory_space<hbm>>
      %dma_wait3A_12 = arith.constant 0 : i32
      %dma_wait3A_13 = tpu.memref_slice %arg2[%dma_wait3A_12, %mul3A_2] : memref<8x16384xf32, #tpu.memory_space<hbm>> -> memref<8x512xf32, #tpu.memory_space<hbm>>
      tpu.wait_dma2 semaphore(%run_scoped3A : memref<!tpu.dma_semaphore, #tpu.memory_space<semaphore_mem>>) src(%dma_wait3A_13 : memref<8x512xf32, #tpu.memory_space<hbm>>) dst(%arg4 : memref<8x512xf32, #tpu.memory_space<vmem>>)
      tpu.yield
    }) : () -> ()
    %scan3A = arith.constant 0 : i32
    %scan3A_3 = arith.constant 0 : i32
    %scan3A_4 = arith.constant 32 : i32
    %scan3A_5 = arith.addi %scan3A_3, %scan3A_4 : i32
    %scan3A_6 = arith.constant 1 : i32
    scf.for %scan3A_8 = %scan3A_3 to %scan3A_5 step %scan3A_6  : i32 {
      %mul3A_9 = arith.constant 16 : i32
      %mul3A_10 = arith.muli %scan3A_8, %mul3A_9 : i32
      %get3A = arith.constant 0 : i32
      %get3A_11 = arith.index_cast %get3A : i32 to index
      %get3A_12 = arith.index_cast %mul3A_10 : i32 to index
      %get3A_13 = tpu.vector_load %arg4[%get3A_11, %get3A_12] {strides = array<i32>} : memref<8x512xf32, #tpu.memory_space<vmem>>, vector<1x16xf32>,
      %get3A_14 = vector.shape_cast %get3A_13 : vector<1x16xf32> to vector<16xf32>
      %get3A_15 = arith.constant 1 : i32
      %get3A_16 = arith.index_cast %get3A_15 : i32 to index
      %get3A_17 = arith.index_cast %mul3A_10 : i32 to index
      %get3A_18 = tpu.vector_load %arg4[%get3A_16, %get3A_17] {strides = array<i32>} : memref<8x512xf32, #tpu.memory_space<vmem>>, vector<1x16xf32>,
      %get3A_19 = vector.shape_cast %get3A_18 : vector<1x16xf32> to vector<16xf32>
      %get3A_20 = arith.constant 2 : i32
      %get3A_21 = arith.index_cast %get3A_20 : i32 to index
      %get3A_22 = arith.index_cast %mul3A_10 : i32 to index
      %get3A_23 = tpu.vector_load %arg4[%get3A_21, %get3A_22] {strides = array<i32>} : memref<8x512xf32, #tpu.memory_space<vmem>>, vector<1x16xf32>,
      %get3A_24 = vector.shape_cast %get3A_23 : vector<1x16xf32> to vector<16xf32>
      %get3A_25 = arith.constant 3 : i32
      %get3A_26 = arith.index_cast %get3A_25 : i32 to index
      %get3A_27 = arith.index_cast %mul3A_10 : i32 to index
      %get3A_28 = tpu.vector_load %arg4[%get3A_26, %get3A_27] {strides = array<i32>} : memref<8x512xf32, #tpu.memory_space<vmem>>, vector<1x16xf32>,
      %get3A_29 = vector.shape_cast %get3A_28 : vector<1x16xf32> to vector<16xf32>
      %get3A_30 = arith.constant 4 : i32
      %get3A_31 = arith.index_cast %get3A_30 : i32 to index
      %get3A_32 = arith.index_cast %mul3A_10 : i32 to index
      %get3A_33 = tpu.vector_load %arg4[%get3A_31, %get3A_32] {strides = array<i32>} : memref<8x512xf32, #tpu.memory_space<vmem>>, vector<1x16xf32>,
      %get3A_34 = vector.shape_cast %get3A_33 : vector<1x16xf32> to vector<16xf32>
      %get3A_35 = arith.constant 5 : i32
      %get3A_36 = arith.index_cast %get3A_35 : i32 to index
      %get3A_37 = arith.index_cast %mul3A_10 : i32 to index
      %get3A_38 = tpu.vector_load %arg4[%get3A_36, %get3A_37] {strides = array<i32>} : memref<8x512xf32, #tpu.memory_space<vmem>>, vector<1x16xf32>,
      %get3A_39 = vector.shape_cast %get3A_38 : vector<1x16xf32> to vector<16xf32>
      %get3A_40 = arith.constant 6 : i32
      %get3A_41 = arith.index_cast %get3A_40 : i32 to index
      %get3A_42 = arith.index_cast %mul3A_10 : i32 to index
      %get3A_43 = tpu.vector_load %arg4[%get3A_41, %get3A_42] {strides = array<i32>} : memref<8x512xf32, #tpu.memory_space<vmem>>, vector<1x16xf32>,
      %get3A_44 = vector.shape_cast %get3A_43 : vector<1x16xf32> to vector<16xf32>
      %get3A_45 = arith.constant 7 : i32
      %get3A_46 = arith.index_cast %get3A_45 : i32 to index
      %get3A_47 = arith.index_cast %mul3A_10 : i32 to index
      %get3A_48 = tpu.vector_load %arg4[%get3A_46, %get3A_47] {strides = array<i32>} : memref<8x512xf32, #tpu.memory_space<vmem>>, vector<1x16xf32>,
      %get3A_49 = vector.shape_cast %get3A_48 : vector<1x16xf32> to vector<16xf32>
      %broadcast_in_dim3A = arith.constant 0xFF800000 : f32
      %broadcast_in_dim3A_50 = vector.broadcast %broadcast_in_dim3A : f32 to vector<16xf32>
      %min3A = arith.minimumf %get3A_14, %get3A_19 : vector<16xf32>
      %max3A = arith.maximumf %broadcast_in_dim3A_50, %min3A : vector<16xf32>
      %max3A_51 = arith.maximumf %get3A_14, %get3A_19 : vector<16xf32>
      %min3A_52 = arith.minimumf %max3A_51, %get3A_24 : vector<16xf32>
      %max3A_53 = arith.maximumf %max3A, %min3A_52 : vector<16xf32>
      %max3A_54 = arith.maximumf %max3A_51, %get3A_24 : vector<16xf32>
      %min3A_55 = arith.minimumf %max3A_54, %get3A_29 : vector<16xf32>
      %max3A_56 = arith.maximumf %max3A_53, %min3A_55 : vector<16xf32>
      %max3A_57 = arith.maximumf %max3A_54, %get3A_29 : vector<16xf32>
      %min3A_58 = arith.minimumf %max3A_57, %get3A_34 : vector<16xf32>
      %max3A_59 = arith.maximumf %max3A_56, %min3A_58 : vector<16xf32>
      %max3A_60 = arith.maximumf %max3A_57, %get3A_34 : vector<16xf32>
      %min3A_61 = arith.minimumf %max3A_60, %get3A_39 : vector<16xf32>
      %max3A_62 = arith.maximumf %max3A_59, %min3A_61 : vector<16xf32>
      %max3A_63 = arith.maximumf %max3A_60, %get3A_39 : vector<16xf32>
      %min3A_64 = arith.minimumf %max3A_63, %get3A_44 : vector<16xf32>
      %max3A_65 = arith.maximumf %max3A_62, %min3A_64 : vector<16xf32>
      %max3A_66 = arith.maximumf %max3A_63, %get3A_44 : vector<16xf32>
      %min3A_67 = arith.minimumf %max3A_66, %get3A_49 : vector<16xf32>
      %max3A_68 = arith.maximumf %max3A_65, %min3A_67 : vector<16xf32>
      %max3A_69 = arith.maximumf %max3A_66, %get3A_49 : vector<16xf32>
      %broadcast_in_dim3A_70 = arith.constant 0.000000e+00 : f32
      %broadcast_in_dim3A_71 = vector.broadcast %broadcast_in_dim3A_70 : f32 to vector<16xf32>
      %sub3A = arith.subf %get3A_14, %max3A_69 : vector<16xf32>
      %exp3A = math.exp %sub3A : vector<16xf32>
      %add3A_72 = arith.addf %broadcast_in_dim3A_71, %exp3A : vector<16xf32>
      %sub3A_73 = arith.subf %get3A_19, %max3A_69 : vector<16xf32>
      %exp3A_74 = math.exp %sub3A_73 : vector<16xf32>
      %add3A_75 = arith.addf %add3A_72, %exp3A_74 : vector<16xf32>
      %sub3A_76 = arith.subf %get3A_24, %max3A_69 : vector<16xf32>
      %exp3A_77 = math.exp %sub3A_76 : vector<16xf32>
      %add3A_78 = arith.addf %add3A_75, %exp3A_77 : vector<16xf32>
      %sub3A_79 = arith.subf %get3A_29, %max3A_69 : vector<16xf32>
      %exp3A_80 = math.exp %sub3A_79 : vector<16xf32>
      %add3A_81 = arith.addf %add3A_78, %exp3A_80 : vector<16xf32>
      %sub3A_82 = arith.subf %get3A_34, %max3A_69 : vector<16xf32>
      %exp3A_83 = math.exp %sub3A_82 : vector<16xf32>
      %add3A_84 = arith.addf %add3A_81, %exp3A_83 : vector<16xf32>
      %sub3A_85 = arith.subf %get3A_39, %max3A_69 : vector<16xf32>
      %exp3A_86 = math.exp %sub3A_85 : vector<16xf32>
      %add3A_87 = arith.addf %add3A_84, %exp3A_86 : vector<16xf32>
      %sub3A_88 = arith.subf %get3A_44, %max3A_69 : vector<16xf32>
      %exp3A_89 = math.exp %sub3A_88 : vector<16xf32>
      %add3A_90 = arith.addf %add3A_87, %exp3A_89 : vector<16xf32>
      %sub3A_91 = arith.subf %get3A_49, %max3A_69 : vector<16xf32>
      %exp3A_92 = math.exp %sub3A_91 : vector<16xf32>
      %add3A_93 = arith.addf %add3A_90, %exp3A_92 : vector<16xf32>
      %sub3A_94 = arith.subf %max3A_68, %max3A_69 : vector<16xf32>
      %exp3A_95 = math.exp %sub3A_94 : vector<16xf32>
      %add3A_96 = arith.constant 1.000000e+00 : f32
      %add3A_97 = vector.broadcast %add3A_96 : f32 to vector<16xf32>
      %add3A_98 = arith.addf %add3A_97, %exp3A_95 : vector<16xf32>
      %div3A = arith.divf %add3A_98, %add3A_93 : vector<16xf32>
      %swap3A = arith.index_cast %mul3A_10 : i32 to index
      %swap3A_99 = tpu.vector_load %arg5[%swap3A] {strides = array<i32>} : memref<512xf32, #tpu.memory_space<vmem>>, vector<16xf32>,
      %swap3A_100 = vector.shape_cast %swap3A_99 : vector<16xf32> to vector<16xf32>
      %swap3A_101 = vector.shape_cast %div3A : vector<16xf32> to vector<16xf32>
      tpu.vector_store %arg5[%swap3A], %swap3A_101 {strides = array<i32>} : memref<512xf32, #tpu.memory_space<vmem>>, vector<16xf32>,
    }
    %scan3A_7 = arith.constant 32 : i32
    "tpu.region"() ({
      %run_scoped3A = tpu.sem_alloc : memref<!tpu.dma_semaphore, #tpu.memory_space<semaphore_mem>>
      %dma_start3A = tpu.memref_slice %arg3[%mul3A_2] : memref<16384xf32, #tpu.memory_space<hbm>> -> memref<512xf32, #tpu.memory_space<hbm>>
      %dma_start3A_8 = tpu.memref_slice %arg3[%mul3A_2] : memref<16384xf32, #tpu.memory_space<hbm>> -> memref<512xf32, #tpu.memory_space<hbm>>
      tpu.enqueue_dma source(%arg5 : memref<512xf32, #tpu.memory_space<vmem>>) target(%dma_start3A_8 : memref<512xf32, #tpu.memory_space<hbm>>) target_semaphore(%run_scoped3A : memref<!tpu.dma_semaphore, #tpu.memory_space<semaphore_mem>>)
      %dma_wait3A = tpu.memref_slice %arg3[%mul3A_2] : memref<16384xf32, #tpu.memory_space<hbm>> -> memref<512xf32, #tpu.memory_space<hbm>>
      %dma_wait3A_9 = tpu.memref_slice %arg3[%mul3A_2] : memref<16384xf32, #tpu.memory_space<hbm>> -> memref<512xf32, #tpu.memory_space<hbm>>
      tpu.wait_dma2 semaphore(%run_scoped3A : memref<!tpu.dma_semaphore, #tpu.memory_space<semaphore_mem>>) src(%arg5 : memref<512xf32, #tpu.memory_space<vmem>>) dst(%dma_wait3A_9 : memref<512xf32, #tpu.memory_space<hbm>>)
      tpu.yield
    }) : () -> ()
    return
  }
}

module attributes {stable_mosaic.version = 14 : i64} {
  func.func @_logits_body(%arg0: i32, %arg1: memref<512x4096xf32, #tpu.memory_space<vmem>>, %arg2: memref<4096x128xf32, #tpu.memory_space<vmem>>, %arg3: memref<128x512xf32, #tpu.memory_space<vmem>>) attributes {dimension_semantics = [#tpu.dimension_semantics<arbitrary>], iteration_bounds = array<i64: 32>, scalar_prefetch = 0 : i64, scratch_operands = 0 : i64, tpu.core_type = #tpu.core_type<tc>, window_params = [{transform_indices = @transform_0, window_bounds = array<i64: 512, 4096>}, {pipeline_mode = #tpu.pipeline_mode<synchronous>, transform_indices = @transform_1, window_bounds = array<i64: 4096, 128>}, {transform_indices = @transform_2, window_bounds = array<i64: 128, 512>}]} {
    %get3A = arith.constant 0 : index
    %get3A_0 = arith.constant 0 : index
    %get3A_1 = vector.load %arg1[%get3A, %get3A_0] : memref<512x4096xf32, #tpu.memory_space<vmem>>, vector<512x4096xf32>
    %get3A_2 = arith.constant 0 : index
    %get3A_3 = arith.constant 0 : index
    %get3A_4 = vector.load %arg2[%get3A_2, %get3A_3] : memref<4096x128xf32, #tpu.memory_space<vmem>>, vector<4096x128xf32>
    %dot_general3A = arith.constant dense<0.000000e+00> : vector<512x128xf32>
    %dot_general3A_5 = tpu.matmul %get3A_1, %get3A_4, %dot_general3A {dimension_numbers = #tpu.dot_dimension_numbers<[1], [0], [0], [1], [0, 0, 1, 1], [], []>, transpose_lhs_hint = false} : vector<512x4096xf32>, vector<4096x128xf32>, vector<512x128xf32> -> vector<512x128xf32>
    %transpose3A = tpu.transpose %dot_general3A_5, [1, 0] : vector<512x128xf32> -> vector<128x512xf32>
    %swap3A = arith.constant 0 : index
    %swap3A_6 = arith.constant 0 : index
    %swap3A_7 = vector.load %arg3[%swap3A, %swap3A_6] : memref<128x512xf32, #tpu.memory_space<vmem>>, vector<128x512xf32>
    tpu.vector_store %arg3[%swap3A, %swap3A_6], %transpose3A {strides = array<i32>} : memref<128x512xf32, #tpu.memory_space<vmem>>, vector<128x512xf32>,
    return
  }
  func.func @transform_0(%arg0: i32) -> (i32, i32) {
    %c0_i32 = arith.constant 0 : i32
    %c0_i32_0 = arith.constant 0 : i32
    return %arg0, %c0_i32 : i32, i32
  }
  func.func @transform_1(%arg0: i32) -> (i32, i32) {
    %c0_i32 = arith.constant 0 : i32
    %c0_i32_0 = arith.constant 0 : i32
    %c0_i32_1 = arith.constant 0 : i32
    return %c0_i32, %c0_i32_0 : i32, i32
  }
  func.func @transform_2(%arg0: i32) -> (i32, i32) {
    %c0_i32 = arith.constant 0 : i32
    %c0_i32_0 = arith.constant 0 : i32
    return %c0_i32, %arg0 : i32, i32
  }
}

module attributes {stable_mosaic.version = 14 : i64} {
  func.func @_mul_body(%arg0: i32, %arg1: memref<512x4096xf32, #tpu.memory_space<vmem>>, %arg2: memref<512x1xf32, #tpu.memory_space<vmem>>, %arg3: memref<512x4096xf32, #tpu.memory_space<vmem>>) attributes {dimension_semantics = [#tpu.dimension_semantics<arbitrary>], iteration_bounds = array<i64: 32>, scalar_prefetch = 0 : i64, scratch_operands = 0 : i64, tpu.core_type = #tpu.core_type<tc>, window_params = [{transform_indices = @transform_0, window_bounds = array<i64: 512, 4096>}, {transform_indices = @transform_1, window_bounds = array<i64: 512, 1>}, {transform_indices = @transform_2, window_bounds = array<i64: 512, 4096>}]} {
    %get3A = arith.constant 0 : index
    %get3A_0 = arith.constant 0 : index
    %get3A_1 = vector.load %arg1[%get3A, %get3A_0] : memref<512x4096xf32, #tpu.memory_space<vmem>>, vector<512x4096xf32>
    %get3A_2 = arith.constant 0 : index
    %get3A_3 = arith.constant 0 : index
    %get3A_4 = vector.load %arg2[%get3A_2, %get3A_3] : memref<512x1xf32, #tpu.memory_space<vmem>>, vector<512x1xf32>
    %mul3A = vector.broadcast %get3A_4 : vector<512x1xf32> to vector<512x4096xf32>
    %mul3A_5 = arith.mulf %get3A_1, %mul3A : vector<512x4096xf32>
    %swap3A = arith.constant 0 : index
    %swap3A_6 = arith.constant 0 : index
    %swap3A_7 = vector.load %arg3[%swap3A, %swap3A_6] : memref<512x4096xf32, #tpu.memory_space<vmem>>, vector<512x4096xf32>
    tpu.vector_store %arg3[%swap3A, %swap3A_6], %mul3A_5 {strides = array<i32>} : memref<512x4096xf32, #tpu.memory_space<vmem>>, vector<512x4096xf32>,
    return
  }
  func.func @transform_0(%arg0: i32) -> (i32, i32) {
    %c0_i32 = arith.constant 0 : i32
    %c0_i32_0 = arith.constant 0 : i32
    return %arg0, %c0_i32 : i32, i32
  }
  func.func @transform_1(%arg0: i32) -> (i32, i32) {
    %c0_i32 = arith.constant 0 : i32
    %c0_i32_0 = arith.constant 0 : i32
    return %arg0, %c0_i32 : i32, i32
  }
  func.func @transform_2(%arg0: i32) -> (i32, i32) {
    %c0_i32 = arith.constant 0 : i32
    %c0_i32_0 = arith.constant 0 : i32
    return %arg0, %c0_i32 : i32, i32
  }
}

</mosaic_0001>

<sc_bundles>
// kernel: kernel.5.cloned.1.call-start
scs
__scs_entry_jumppad:
0x0: {  	(pc) =	sbr.rel $0x88, $3  }
0x1: {  	(tag) =	ssettag $0x0;
	lr =	simm.s32 $0x1  }
0x2: {  	[smem:$0x3F9F] =	sst lr;
	_ =	strace $0xD0000000  }
0x3: {  	_ = 	snop  }
0x4: {  	_ = 	snop  }
0x5: {  	_ = 	snop  }
0x6: {  	_ = 	snop  }
0x7: {  	_ = 	snop  }
__scs_overlays_trampoline_lowered:
0x8: {  	[smem:$0x3FAE] =	sst s0  }
0x9: {  	[smem:$0x3FAF] =	sst s1  }
0xa: {  	[smem:$0x3FB0] =	sst s2  }
0xb: {  	[smem:$0x3FB1] =	sst s3  }
0xc: {  	[smem:$0x3FB2] =	sst s4  }
0xd: {  	[smem:$0x3FB3] =	sst s5  }
0xe: {  	[smem:$0x3FB4] =	sst s6  }
0xf: {  	[smem:$0x3FB5] =	sst s7  }
0x10: {  	[smem:$0x3FB6] =	sst s8  }
0x11: {  	[smem:$0x3FB7] =	sst s9;
	s0 =	simm.s32 @!p0 $0x0  }
0x12: {  	s1 =	sld [smem:$0x3F9D];
	s0 =	simm.s32 @p0 $0x1  }
0x13: {  	[smem:$0x3FB8] =	sst s0;
	s0 =	simm.s32 @!p1 $0x0  }
0x14: {  	s2 =	sld [smem:$0x3F9C];
	s0 =	simm.s32 @p1 $0x1  }
0x15: {  	[smem:$0x3FB9] =	sst s0;
	s0 =	simm.s32 @!p2 $0x0  }
0x16: {  	s3 =	sld [smem:$0x3FDB];
	s0 =	simm.s32 @p2 $0x1  }
0x17: {  	s4 =	simm.s32 $0x1BF5;
	[smem:$0x3FBB] =	sst s0  }
0x18: {  	s0 =	sld [smem:$0x3F9E];
	_ =	swait.ge [sflag:s4], $0x0  }
0x19: {  	s7 =	sld [smem:$0x3F9F]  }
0x1a: {  	s8 =	sadd.s32 $0xFFFFE003, lr  }
0x1b: {  	s9 =	sadd.s32 $0xFFFFFEF7, lr;
	s5 =	simm.s32 $0xFFFFFFFF;
	p2 =	slt.u32 s8, $0xFFFFF086  }
0x1c: {  	p1 =	slt.u32 s9, $0xF7A;
	s5 =	simm.s32 @!p2 $0x0  }
0x1d: {  	s5 =	simm.s32 @p1 $0x1;
	p0 =	seq.s32 s7, s2  }
0x1e: {  	s7 =	smul.u32 @!p0 $0xF7A, s2;
	p2 =	seq.s32 @!p0 s5, $0x0  }
0x1f: {  	s9 =	smul.u32 $0xF7A, s1;
	s8 =	simm.s32 @!p0 $0x1BF5;
	p2 =	por !p2, p0  }
0x20: {  	[sflag:s8] =	ssyncset.s32 @!p0 $0xFFFFF086;
	s6 =	sadd.s32 @!p0 s3, s7;
	s7 =	simm.s32 @!p0 $0x108  }
0x21: {  	s3 =	sadd.s32 s3, s9;
	s6 =	sadd.s32 @!p0 $0x88, s6;
	s7 =	simm.s32 @p2 $0x1082  }
0x22: {  	[simem:s7], [sflag:s8] =	dma.local @!p0 [hbm:s6], $0xF7A  }
0x23: {  	s9 =	sor.u32 $0xD0000000, s2;
	s6 =	simm.s32 $0x108;
	_ =	swait.ge @!p0 [sflag:s8], $0x0  }
0x24: {  	s3 =	sadd.s32 $0x88, s3;
	s6 =	simm.s32 @!p1 $0x1082;
	[sflag:s4] =	ssyncset.s32 $0xFFFFF086  }
0x25: {  	[simem:s6], [sflag:s4] =	dma.local [hbm:s3], $0xF7A  }
0x26: {  	[smem:$0x3F9F] =	sst s1;
	(tag) =	ssettag s2;
	_ =	strace s9  }
0x27: {  	s1 =	sld [smem:$0x3FAF]  }
0x28: {  	s2 =	sld [smem:$0x3FB0]  }
0x29: {  	s4 =	sld [smem:$0x3FB2]  }
0x2a: {  	p0 =	seq.s32 s5, $0x0;
	s5 =	sld [smem:$0x3FB3]  }
0x2b: {  	s6 =	sld [smem:$0x3FB4]  }
0x2c: {  	s7 =	sld [smem:$0x3FB5]  }
0x2d: {  	s3 =	simm.s32 $0x108;
	s8 =	sld [smem:$0x3FB6]  }
0x2e: {  	s3 =	simm.s32 @!p0 $0x1082;
	s9 =	sld [smem:$0x3FB7]  }
0x2f: {  	lr =	sadd.s32 s0, s3;
	s0 =	sld [smem:$0x3FAE]  }
0x30: {  	s3 =	sld [smem:$0x3FB1]  }
0x31: {  	[smem:$0x3FBA] =	sst s10  }
0x32: {  	s10 =	sld [smem:$0x3FB8];
	_ =	sdelay $0x3  }
0x33: {  	p0 =	seq.s32 s10, $0x1;
	s10 =	sld [smem:$0x3FBA];
	_ =	sdelay $0x3  }
0x34: {  	[smem:$0x3FBA] =	sst s10  }
0x35: {  	s10 =	sld [smem:$0x3FB9];
	_ =	sdelay $0x3  }
0x36: {  	p1 =	seq.s32 s10, $0x1;
	s10 =	sld [smem:$0x3FBA];
	_ =	sdelay $0x3  }
0x37: {  	[smem:$0x3FBA] =	sst s10  }
0x38: {  	s10 =	sld [smem:$0x3FBB]  }
0x39: {  	_ = 	snop;
	(pc) =	sbr.ind lr, $3  }
0x3a: {  	_ = 	snop  }
0x3b: {  	_ = 	snop  }
0x3c: {  	p2 =	seq.s32 s10, $0x1;
	s10 =	sld [smem:$0x3FBA]  }
0x3d: {  	_ =	shalt  }
0x3e: {  	_ =	shalt  }
0x3f: {  	_ =	shalt  }
0x40: {  	_ =	shalt  }
0x41: {  	_ =	shalt  }
0x42: {  	_ =	shalt  }
0x43: {  	_ =	shalt  }
0x44: {  	_ =	shalt  }
0x45: {  	_ =	shalt  }
0x46: {  	_ =	shalt  }
0x47: {  	_ =	shalt  }
0x48: {  	_ =	shalt  }
0x49: {  	_ =	shalt  }
0x4a: {  	_ =	shalt  }
0x4b: {  	_ =	shalt  }
0x4c: {  	_ =	shalt  }
0x4d: {  	_ =	shalt  }
0x4e: {  	_ =	shalt  }
0x4f: {  	_ =	shalt  }
0x50: {  	_ =	shalt  }
0x51: {  	_ =	shalt  }
0x52: {  	_ =	shalt  }
0x53: {  	_ =	shalt  }
0x54: {  	_ =	shalt  }
0x55: {  	_ =	shalt  }
0x56: {  	_ =	shalt  }
0x57: {  	_ =	shalt  }
0x58: {  	_ =	shalt  }
0x59: {  	_ =	shalt  }
0x5a: {  	_ =	shalt  }
0x5b: {  	_ =	shalt  }
0x5c: {  	_ =	shalt  }
0x5d: {  	_ =	shalt  }
0x5e: {  	_ =	shalt  }
0x5f: {  	_ =	shalt  }
0x60: {  	_ =	shalt  }
0x61: {  	_ =	shalt  }
0x62: {  	_ =	shalt  }
0x63: {  	_ =	shalt  }
0x64: {  	_ =	shalt  }
0x65: {  	_ =	shalt  }
0x66: {  	_ =	shalt  }
0x67: {  	_ =	shalt  }
0x68: {  	_ =	shalt  }
0x69: {  	_ =	shalt  }
0x6a: {  	_ =	shalt  }
0x6b: {  	_ =	shalt  }
0x6c: {  	_ =	shalt  }
0x6d: {  	_ =	shalt  }
0x6e: {  	_ =	shalt  }
0x6f: {  	_ =	shalt  }
0x70: {  	_ =	shalt  }
0x71: {  	_ =	shalt  }
0x72: {  	_ =	shalt  }
0x73: {  	_ =	shalt  }
0x74: {  	_ =	shalt  }
0x75: {  	_ =	shalt  }
0x76: {  	_ =	shalt  }
0x77: {  	_ =	shalt  }
0x78: {  	_ =	shalt  }
0x79: {  	_ =	shalt  }
0x7a: {  	_ =	shalt  }
0x7b: {  	_ =	shalt  }
0x7c: {  	_ =	shalt  }
0x7d: {  	_ =	shalt  }
0x7e: {  	_ =	shalt  }
0x7f: {  	_ =	shalt  }
0x80: {  	_ =	shalt  }
0x81: {  	_ =	shalt  }
0x82: {  	_ =	shalt  }
0x83: {  	_ =	shalt  }
0x84: {  	_ =	shalt  }
0x85: {  	_ =	shalt  }
0x86: {  	_ =	shalt  }
0x87: {  	_ =	shalt  }
.Lfunc_end0:
.L_simem_size_0:
called_computation_lowered:
.L_overlay_start_0:
0x88: {  	s2 =	sld [smem:$0x3FD9]  }
0x89: {  	s3 =	sld [smem:$0x3FFE];
	_ =	sdelay $0x1  }
0x8a: {  	s1 =	srdreg.scid  }
0x8b: {  	s0 =	sand.u32 $0x1, s1  }
0x8c: {  	s17 =	sshll.u32 s0, $0xA;
	s2 =	sadd.s32 s3, s2  }
0x8d: {  	s2 =	sadd.s32 s2, s17  }
0x8e: {  	[smem:$0x3FC6] =	sst s2  }
0x8f: {  	_ = 	snop  }
0x90: {  	s2 =	sld [smem:$0x3FD0];
	(tm) =	ssettm $0x1  }
0x91: {  	s18 =	sld [smem:$0x3FFB];
	_ =	sdelay $0x3  }
0x92: {  	_ =	strace s18  }
0x93: {  	s3 =	sld [smem:$0x3FFC];
	_ =	sdelay $0x3  }
0x94: {  	_ =	strace s3  }
0x95: {  	s3 =	sld [smem:$0x3FFD];
	_ =	sdelay $0x3  }
0x96: {  	_ =	strace s3  }
0x97: {  	_ =	strace $0x8FFFFFFF  }
0x98: {  	s19 =	sld [smem:$0x3FDB];
	_ =	sdelay $0x1  }
0x99: {  	s4 =	simm.s32 $_scs_section_size  }
0x9a: {  	s5 =	simm.s32 $_size__tile_overlayer_lowered;
	s6 =	simm.s32 $_tile_overlayer_lowered  }
0x9b: {  	s22 =	simm.s32 $0x1BFF;
	s21 =	sshll.u32 s6, $0x1;
	s3 =	sadd.s32 s4, s19  }
0x9c: {  	s7 =	simm.s32 $0x0;
	s20 =	sshll.u32 s5, $0x1;
	s5 =	sadd.s32 s21, s3  }
0x9d: {  	[timem:s7], [sflag:s22] =	dma.local [hbm:s5], s20  }
0x9e: {  	_ =	swait.ge [sflag:s22], s20  }
0x9f: {  	s4 =	ssub.s32 $0x0, s20;
	[sflag:s22] =	ssyncset.done $0x0  }
0xa0: {  	[sflag:s22] =	ssyncadd.s32 s4;
	_ =	sdelay $0x1  }
0xa1: {  	s23 =	simm.s32 $0x1B8B  }
0xa2: {  	_ =	swait.ge [sflag:s23], $0x1  }
0xa3: {  	[sflag:s23] =	ssyncset.done $0x0  }
0xa4: {  	s25 =	simm.s32 $0x1B8E;
	s24 =	sld [smem:$0x3FFE];
	[sflag:s23] =	ssyncadd.s32 $0xFFFFFFFF  }
0xa5: {  	s26 =	simm.s32 $execute0_lowered;
	[smem:$0x3FD2] =	sst s25  }
0xa6: {  	s5 =	sshll.u32 s26, $0x1;
	_ =	strace $0x80000046;
	[dreg:$0x1] =	wrdreg $0xFFFFFFFF  }
0xa7: {  	s28 =	simm.s32 $_size_execute0_lowered;
	s3 =	sadd.s32 s3, s5;
	[dreg:$0x0] =	wrdreg $0x0  }
0xa8: {  	s5 =	sshll.u32 s28, $0x1;
	[dreg:$0x2] =	wrdreg s3  }
0xa9: {  	[dreg:$0x3] =	wrdreg s5  }
0xaa: {  	[dreg:$0x4] =	wrdreg $0xC0  }
0xab: {  	_ =	task [dreg:s7], $0x5FFFF  }
0xac: {  	[dreg:$0x1] =	wrdreg $0xFFFFFFFF  }
0xad: {  	[dreg:$0x0] =	wrdreg $0x60  }
0xae: {  	[dreg:$0x2] =	wrdreg s2  }
0xaf: {  	[dreg:$0x3] =	wrdreg s24  }
0xb0: {  	[dreg:$0x4] =	wrdreg $0x9  }
0xb1: {  	_ =	task.clear_ibuf [dreg:s7], $0x5FFFF;
	_ =	strace $0x90000046  }
0xb2: {  	s29 =	simm.s32 $0x9;
	_ =	strace $0x80000048  }
0xb3: {  	_ =	swait.ge [sflag:s29], $0x1  }
0xb4: {  	[sflag:s29] =	ssyncadd.s32 $0xFFFFFFFF  }
0xb5: {  	_ =	strace $0x90000048  }
0xb6: {  	_ =	sfence  }
0xb7: {  	s30 =	sld [smem:$0x0];
	_ =	sdelay $0x2  }
0xb8: {  	s31 =	sshll.u32 s1, $0xD;
	s1 =	sshrl.u32 s1, $0x2  }
0xb9: {  	s3 =	sand.u32 $0x4000, s31;
	s1 =	sadd.s32 s1, s30  }
0xba: {  	s0 =	sor.u32 s3, s0;
	s1 =	sshll.u32 s1, $0x11  }
0xbb: {  	s0 =	sor.u32 s1, s0  }
0xbc: {  	s0 =	sadd.s32 $0x8F2B, s0  }
0xbd: {  	[sflag:s0] =	ssyncadd.remote.s32 $0x1  }
0xbe: {  	_ =	sfence.sel $0xFFFF  }
0xbf: {  	[dreg:$0x0] =	wrdreg $0xFFFFFFFF;
	(pc) =	sbr.abs _section_cstart, $3  }
0xc0: {  	[dreg:$0x1] =	wrdreg $0xFFFFFFFF  }
0xc1: {  	_ =	task.clear_ibuf [dreg:s7], $0x2FFFF;
	_ =	strace $0x9FFFFFFF  }
0xc2: {  	(tm) =	ssettm $0x7FFFFFFF  }
0xc3: {  	_ =	shalt  }
tec
execute0_lowered:
.L_overlay_start_1:
0x0: {  	(tag) =	ssettag $0x1  }
0x1: {  	s3 =	rddreg [dreg:$0x0]  }
0x2: {  	s4 =	rddreg [dreg:$0x1]  }
0x3: {  	s0 =	rddreg [dreg:$0x2];
	s5 =	srdreg.scid  }
0x4: {  	s2 =	simm.s32 $0x0;
	s1 =	stileid.u32;
	s5 =	sand.u32 $0x1, s5  }
0x5: {  	s7 =	sshll.u32 s1, $0xA;
	s6 =	ssub.s32 $0x2, s5;
	s5 =	sshll.u32 s5, $0x9  }
0x6: {  	[smem:$0x7FF] =	sst s2;
	s8 =	sshrl.u32 s6, $0x1;
	s5 =	sor.u32 s5, s7  }
0x7: {  	_ =	strace $0x80000047;
	s6 =	ssub.s32 s6, s8;
	s7 =	sshrl.u32 s5, $0x3  }
0x8: {  	s3 =	sadd.s32 s3, s5;
	s8 =	simm.s32 $0x0;
	s4 =	sadd.s32 s4, s7  }
0x9: {  	s5 =	smax.u32 s6, $0x1;
	s6 =	simm.s32 $0x1;
	s7 =	simm.s32 $0x1000  }
.LBB2_1:
0xa: {  	[tilespmem:s2], [sflag:$0x1] =	stream.linear.gather [hbm4b:s3+s2], $0x1000, $0x38;
	[tilespmem:$0x1200] =	vst v63  }
0xb: {  	_ =	swait.ge [sflag:s6], $0x1000  }
0xc: {  	s9 =	sand.u32 $0x70, s2;
	s10 =	sand.u32 $0xC00, s2;
	[sflag:s6] =	ssyncset.done $0x0  }
0xd: {  	s9 =	sor.u32 s9, s10;
	[sflag:s6] =	ssyncadd.s32 $0xFFFFF000  }
0xe: {  	v0 =	vld [tilespmem:s9+$0x80]  }
0xf: {  	v1 =	vld [tilespmem:s9+$0x0]  }
0x10: {  	v2 =	vld [tilespmem:s9+$0x100]  }
0x11: {  	v3 =	vld [tilespmem:s9+$0x180]  }
0x12: {  	v4 =	vld [tilespmem:s9+$0x200]  }
0x13: {  	v5 =	vld [tilespmem:s9+$0x280]  }
0x14: {  	v6 =	vld [tilespmem:s9+$0x300];
	v7 =	vmax.f32 v1, v0  }
0x15: {  	v8 =	vld [tilespmem:s9+$0x380];
	v9 =	vmax.f32 v7, v2  }
0x16: {  	v10 =	vmax.f32 v9, v3  }
0x17: {  	v11 =	vmax.f32 v10, v4  }
0x18: {  	v12 =	vmax.f32 v11, v5  }
0x19: {  	v13 =	vmax.f32 v12, v6  }
0x1a: {  	v14 =	vmax.f32 v13, v8  }
0x1b: {  	v15 =	vsub.f32 v1, v14;
	_ =	sdelay $0x1  }
0x1c: {  	v16 =	vsub.f32 v0, v14;
	v15 =	vmul.f32 $1.442695020e+00, v15;
	_ =	sdelay $0x1  }
0x1d: {  	v17 =	vsub.f32 v2, v14;
	v16 =	vmul.f32 $1.442695020e+00, v16;
	(erf) = vpow2.f32 v15;
	_ =	sdelay $0x1  }
0x1e: {  	v43 =	vsub.f32 v3, v14;
	v42 =	vmul.f32 $1.442695020e+00, v17;
	(erf) = vpow2.f32 v16;
	_ =	sdelay $0x1  }
0x1f: {  	v45 =	vsub.f32 v4, v14;
	v44 =	vmul.f32 $1.442695020e+00, v43;
	(erf) = vpow2.f32 v42;
	_ =	sdelay $0x1  }
0x20: {  	v47 =	vsub.f32 v5, v14;
	v46 =	vmul.f32 $1.442695020e+00, v45;
	(erf) = vpow2.f32 v44;
	_ =	sdelay $0x1  }
0x21: {  	v49 =	vsub.f32 v6, v14;
	v48 =	vmul.f32 $1.442695020e+00, v47;
	(erf) = vpow2.f32 v46  }
0x22: {  	v50 =	vsub.f32 v8, v14;
	v18 =	vpop (erf)  }
0x23: {  	v17 =	vmul.f32 $1.442695020e+00, v49;
	(erf) = vpow2.f32 v48;
	v18 =	vadd.f32 $0.0e+00, v18  }
0x24: {  	v51 =	vmin.f32 v7, v2;
	v52 =	vpop (erf)  }
0x25: {  	v53 =	vmul.f32 $1.442695020e+00, v50;
	(erf) = vpow2.f32 v17;
	v2 =	vadd.f32 v18, v52  }
0x26: {  	v0 =	vmin.f32 v1, v0;
	v3 =	vmin.f32 v9, v3;
	v54 =	vpop (erf)  }
0x27: {  	v0 =	vmax.f32 v0, v51;
	(erf) = vpow2.f32 v53;
	v1 =	vadd.f32 v2, v54  }
0x28: {  	v55 =	vmin.f32 v10, v4;
	v0 =	vmax.f32 v0, v3;
	v56 =	vpop (erf)  }
0x29: {  	v57 =	vmin.f32 v11, v5;
	v0 =	vmax.f32 v0, v55;
	v1 =	vadd.f32 v1, v56  }
0x2a: {  	v58 =	vmin.f32 v12, v6;
	v0 =	vmax.f32 v0, v57;
	v59 =	vpop (erf)  }
0x2b: {  	v60 =	vmin.f32 v13, v8;
	v0 =	vmax.f32 v0, v58;
	v1 =	vadd.f32 v1, v59  }
0x2c: {  	v0 =	vmax.f32 v0, v60;
	v61 =	vpop (erf)  }
0x2d: {  	v0 =	vsub.f32 v0, v14;
	v1 =	vadd.f32 v1, v61  }
0x2e: {  	v62 =	vpop (erf)  }
0x2f: {  	v0 =	vmul.f32 $1.442695020e+00, v0;
	v1 =	vadd.f32 v1, v62  }
0x30: {  	v63 =	vpop (erf)  }
0x31: {  	(erf) = vpow2.f32 v0;
	v1 =	vadd.f32 v1, v63;
	_ =	sdelay $0x1  }
0x32: {  	(erf) = vrcp.f32 v1;
	_ =	sdelay $0x6  }
0x33: {  	v0 =	vpop (erf)  }
0x34: {  	v0 =	vadd.f32 $1.000000000e+00, v0  }
0x35: {  	v1 =	vpop (erf)  }
0x36: {  	s31 =	simm.s32 $0x10;
	s10 =	simm.s32 $0x80;
	v0 =	vmul.f32 v1, v0  }
0x37: {  	s11 =	sand.u32 $0xC00, s10;
	s9 =	sand.u32 $0x70, s31  }
0x38: {  	s12 =	sor.u32 s9, s11;
	s11 =	simm.s32 $0x20;
	s9 =	simm.s32 $0x1000;
	[tilespmem:s7+$0x0] =	vst v0  }
.LBB2_2:
0x39: {  	p0 =	sne.s32 s11, $0x1F0;
	v0 =	vld [tilespmem:s12+$0x80]  }
0x3a: {  	v1 =	vld [tilespmem:s12+$0x0]  }
0x3b: {  	v2 =	vld [tilespmem:s12+$0x100]  }
0x3c: {  	v3 =	vld [tilespmem:s12+$0x180]  }
0x3d: {  	v4 =	vld [tilespmem:s12+$0x200]  }
0x3e: {  	v5 =	vld [tilespmem:s12+$0x280]  }
0x3f: {  	v6 =	vld [tilespmem:s12+$0x300];
	v7 =	vmax.f32 v1, v0  }
0x40: {  	v8 =	vld [tilespmem:s12+$0x380];
	v9 =	vmax.f32 v7, v2  }
0x41: {  	v10 =	vmax.f32 v9, v3  }
0x42: {  	v11 =	vmax.f32 v10, v4  }
0x43: {  	v12 =	vmax.f32 v11, v5  }
0x44: {  	v13 =	vmax.f32 v12, v6  }
0x45: {  	v14 =	vmax.f32 v13, v8  }
0x46: {  	v15 =	vsub.f32 v1, v14;
	_ =	sdelay $0x1  }
0x47: {  	v16 =	vsub.f32 v0, v14;
	v15 =	vmul.f32 $1.442695020e+00, v15;
	_ =	sdelay $0x1  }
0x48: {  	v17 =	vsub.f32 v2, v14;
	v16 =	vmul.f32 $1.442695020e+00, v16;
	(erf) = vpow2.f32 v15;
	_ =	sdelay $0x1  }
0x49: {  	v15 =	vmul.f32 $1.442695020e+00, v17;
	v17 =	vsub.f32 v3, v14;
	(erf) = vpow2.f32 v16;
	_ =	sdelay $0x1  }
0x4a: {  	v16 =	vmul.f32 $1.442695020e+00, v17;
	v17 =	vsub.f32 v4, v14;
	(erf) = vpow2.f32 v15;
	_ =	sdelay $0x1  }
0x4b: {  	v15 =	vmul.f32 $1.442695020e+00, v17;
	v17 =	vsub.f32 v5, v14;
	(erf) = vpow2.f32 v16;
	_ =	sdelay $0x1  }
0x4c: {  	v16 =	vmul.f32 $1.442695020e+00, v17;
	v17 =	vsub.f32 v6, v14;
	(erf) = vpow2.f32 v15  }
0x4d: {  	v15 =	vsub.f32 v8, v14;
	v18 =	vpop (erf)  }
0x4e: {  	v17 =	vmul.f32 $1.442695020e+00, v17;
	v18 =	vadd.f32 $0.0e+00, v18;
	(erf) = vpow2.f32 v16  }
0x4f: {  	v0 =	vmin.f32 v1, v0;
	v16 =	vmin.f32 v7, v2;
	v2 =	vpop (erf)  }
0x50: {  	v7 =	vmul.f32 $1.442695020e+00, v15;
	v2 =	vadd.f32 v18, v2;
	(erf) = vpow2.f32 v17  }
0x51: {  	v0 =	vmax.f32 v0, v16;
	v1 =	vpop (erf)  }
0x52: {  	v9 =	vmin.f32 v9, v3;
	v1 =	vadd.f32 v2, v1;
	(erf) = vpow2.f32 v7  }
0x53: {  	v0 =	vmax.f32 v0, v9;
	v2 =	vmin.f32 v10, v4;
	v3 =	vpop (erf)  }
0x54: {  	v0 =	vmax.f32 v0, v2;
	v2 =	vmin.f32 v11, v5;
	v1 =	vadd.f32 v1, v3  }
0x55: {  	v5 =	vmin.f32 v12, v6;
	v0 =	vmax.f32 v0, v2;
	v3 =	vpop (erf)  }
0x56: {  	v4 =	vmin.f32 v13, v8;
	v0 =	vmax.f32 v0, v5;
	v1 =	vadd.f32 v1, v3  }
0x57: {  	v0 =	vmax.f32 v0, v4;
	v2 =	vpop (erf)  }
0x58: {  	v0 =	vsub.f32 v0, v14;
	v1 =	vadd.f32 v1, v2  }
0x59: {  	v2 =	vpop (erf)  }
0x5a: {  	v0 =	vmul.f32 $1.442695020e+00, v0;
	v1 =	vadd.f32 v1, v2  }
0x5b: {  	v2 =	vpop (erf)  }
0x5c: {  	v1 =	vadd.f32 v1, v2;
	(erf) = vpow2.f32 v0;
	_ =	sdelay $0x1  }
0x5d: {  	(erf) = vrcp.f32 v1;
	_ =	sdelay $0x6  }
0x5e: {  	v0 =	vpop (erf)  }
.Ltmp0:
0x5f: {  	v0 =	vadd.f32 $1.000000000e+00, v0;
	(pc) =	sbr.rel @p0 .LBB2_2-.Ltmp0, $4  }
0x60: {  	v1 =	vpop (erf)  }
0x61: {  	s10 =	sadd.s32 $0x80, s10;
	v0 =	vmul.f32 v1, v0  }
0x62: {  	s9 =	sadd.s32 $0x10, s9;
	s13 =	sand.u32 $0xC00, s10;
	s12 =	sand.u32 $0x70, s11  }
0x63: {  	s11 =	sadd.s32 $0x10, s11;
	s12 =	sor.u32 s12, s13;
	[tilespmem:s9+$0x0] =	vst v0  }
0x64: {  	v0 =	vld [tilespmem:s12+$0x80]  }
0x65: {  	v1 =	vld [tilespmem:s12+$0x0]  }
0x66: {  	v2 =	vld [tilespmem:s12+$0x100]  }
0x67: {  	v3 =	vld [tilespmem:s12+$0x180]  }
0x68: {  	v4 =	vld [tilespmem:s12+$0x200]  }
0x69: {  	v5 =	vld [tilespmem:s12+$0x280]  }
0x6a: {  	v6 =	vld [tilespmem:s12+$0x300];
	v7 =	vmax.f32 v1, v0  }
0x6b: {  	v8 =	vld [tilespmem:s12+$0x380];
	v9 =	vmax.f32 v7, v2  }
0x6c: {  	v10 =	vmax.f32 v9, v3  }
0x6d: {  	v11 =	vmax.f32 v10, v4  }
0x6e: {  	v12 =	vmax.f32 v11, v5  }
0x6f: {  	v13 =	vmax.f32 v12, v6  }
0x70: {  	v14 =	vmax.f32 v13, v8  }
0x71: {  	v15 =	vsub.f32 v1, v14;
	_ =	sdelay $0x1  }
0x72: {  	v16 =	vsub.f32 v0, v14;
	v15 =	vmul.f32 $1.442695020e+00, v15;
	_ =	sdelay $0x1  }
0x73: {  	v17 =	vsub.f32 v2, v14;
	v16 =	vmul.f32 $1.442695020e+00, v16;
	(erf) = vpow2.f32 v15;
	_ =	sdelay $0x1  }
0x74: {  	v43 =	vsub.f32 v3, v14;
	v42 =	vmul.f32 $1.442695020e+00, v17;
	(erf) = vpow2.f32 v16;
	_ =	sdelay $0x1  }
0x75: {  	v45 =	vsub.f32 v4, v14;
	v44 =	vmul.f32 $1.442695020e+00, v43;
	(erf) = vpow2.f32 v42;
	_ =	sdelay $0x1  }
0x76: {  	v47 =	vsub.f32 v5, v14;
	v46 =	vmul.f32 $1.442695020e+00, v45;
	(erf) = vpow2.f32 v44;
	_ =	sdelay $0x1  }
0x77: {  	v49 =	vsub.f32 v6, v14;
	v48 =	vmul.f32 $1.442695020e+00, v47;
	(erf) = vpow2.f32 v46  }
0x78: {  	v50 =	vsub.f32 v8, v14;
	v18 =	vpop (erf)  }
0x79: {  	v17 =	vmul.f32 $1.442695020e+00, v49;
	(erf) = vpow2.f32 v48;
	v18 =	vadd.f32 $0.0e+00, v18  }
0x7a: {  	v51 =	vmin.f32 v7, v2;
	v52 =	vpop (erf)  }
0x7b: {  	v53 =	vmul.f32 $1.442695020e+00, v50;
	(erf) = vpow2.f32 v17;
	v2 =	vadd.f32 v18, v52  }
0x7c: {  	v0 =	vmin.f32 v1, v0;
	v3 =	vmin.f32 v9, v3;
	v54 =	vpop (erf)  }
0x7d: {  	v0 =	vmax.f32 v0, v51;
	(erf) = vpow2.f32 v53;
	v1 =	vadd.f32 v2, v54  }
0x7e: {  	v55 =	vmin.f32 v10, v4;
	v0 =	vmax.f32 v0, v3;
	v56 =	vpop (erf)  }
0x7f: {  	v57 =	vmin.f32 v11, v5;
	v0 =	vmax.f32 v0, v55;
	v1 =	vadd.f32 v1, v56  }
0x80: {  	v58 =	vmin.f32 v12, v6;
	v0 =	vmax.f32 v0, v57;
	v59 =	vpop (erf)  }
0x81: {  	v60 =	vmin.f32 v13, v8;
	v0 =	vmax.f32 v0, v58;
	v1 =	vadd.f32 v1, v59  }
0x82: {  	v0 =	vmax.f32 v0, v60;
	v61 =	vpop (erf)  }
0x83: {  	v0 =	vsub.f32 v0, v14;
	v1 =	vadd.f32 v1, v61  }
0x84: {  	v62 =	vpop (erf)  }
0x85: {  	v0 =	vmul.f32 $1.442695020e+00, v0;
	v1 =	vadd.f32 v1, v62  }
0x86: {  	v63 =	vpop (erf)  }
0x87: {  	(erf) = vpow2.f32 v0;
	v1 =	vadd.f32 v1, v63;
	_ =	sdelay $0x1  }
0x88: {  	(erf) = vrcp.f32 v1;
	_ =	sdelay $0x6  }
0x89: {  	v0 =	vpop (erf)  }
0x8a: {  	v0 =	vadd.f32 $1.000000000e+00, v0  }
0x8b: {  	v1 =	vpop (erf)  }
0x8c: {  	s8 =	sadd.s32 $0x1, s8;
	v0 =	vmul.f32 v1, v0  }
0x8d: {  	s9 =	sadd.s32 $0x10, s9;
	p0 =	sne.s32 s8, s5  }
.Ltmp1:
0x8e: {  	[tilespmem:s9+$0x0] =	vst v0;
	(pc) =	sbr.rel @p0 .LBB2_1-.Ltmp1, $4  }
0x8f: {  	[hbm4b:s4+s2] =	stream.linear.scatter [tilespmem:s7], [sflag:$0x1], $0x200, $0x38;
	[tilespmem:$0x1200] =	vst v63  }
0x90: {  	_ =	swait.ge [sflag:s6], $0x200  }
0x91: {  	[sflag:s6] =	ssyncset.done $0x0  }
0x92: {  	[sflag:s6] =	ssyncadd.s32 $0xFFFFFE00  }
0x93: {  	_ =	sfence.sel $0x180000  }
0x94: {  	[bflag:$0x0] =	sbarrier.arrive $0xFFFF  }
0x95: {  	p0 =	sne.s32 s1, $0x0;
	_ =	strace $0x90000047  }
0x96: {  	s0 =	sadd.s32 @!p0 $0x100000, s0;
	[bflag:$0x2] =	sbarrier.arrive $0xFFFF  }
0x97: {  	[sflag:s0] =	ssyncadd.tile.s32 @!p0 $0x1;
	_ =	shalt  }
.Lfunc_end2:
_tile_overlayer_lowered:
.L_overlay_start_2:
0x98: {  	(tag) =	ssettag $0x2  }
0x99: {  	s0 =	rddreg [dreg:$0x0];
	s2 =	stileid.u32  }
0x9a: {  	s1 =	rddreg [dreg:$0x1];
	p0 =	sne.s32 s2, $0x0  }
0x9b: {  	s3 =	rddreg [dreg:$0x2];
	[bflag:$0x3] =	sbarrier.arrive $0xFFFF;
	s2 =	simm.s32 @!p0 $0x1C01  }
0x9c: {  	[timem:s3], [sflag:s2] =	dma.local @!p0 [hbm:s0], s1  }
0x9d: {  	s0 =	simm.s32 @!p0 $0x1  }
0x9e: {  	_ =	swait.ge @!p0 [sflag:s0], s1  }
0x9f: {  	s1 =	ssub.s32 @!p0 $0x0, s1;
	[sflag:s0] =	ssyncset.done @!p0 $0x0  }
0xa0: {  	[sflag:s0] =	ssyncadd.s32 @!p0 s1  }
0xa1: {  	[bflag:$0x3] =	sbarrier.arrive $0xFFFF  }
0xa2: {  	_ =	shalt  }

</sc_bundles>
